<compile_context>
chip_gen: v7x
topology: tpu7x:2x2x1
jax: 0.10.2.dev20260603
libtpu: 0.0.44.dev20260713+nightly
codegen_flags: <defaults>
</compile_context>

<pallas_src>
import functools

import jax
import jax.numpy as jnp
from jax import lax
from jax.experimental import pallas as pl
from jax.experimental.pallas import tpu as pltpu
from jax.experimental.pallas import tpu_sc as plsc

B, D, E = 32768, 768, 64
BLK = 2048

NC, NS = 2, 16
NW = NC * NS
BPW = B // NW
WORDS = BPW * E


def _sumsq_rows(v):
    r = v.shape[0]
    v2 = v * v
    cs = [v2[:, c * 128:(c + 1) * 128] for c in range(6)]
    p = ((cs[0] + cs[1]) + (cs[2] + cs[3])) + (cs[4] + cs[5])
    pt = p.T
    acc = pt[0:8, :]
    for j in range(1, 16):
        acc = acc + pt[8 * j:8 * j + 8, :]
    t = acc[0:4, :] + acc[4:8, :]
    t = t[0:2, :] + t[2:4, :]
    s = t[0:1, :] + t[1:2, :]
    return s.T


def _l2n(v):
    n = jnp.sqrt(_sumsq_rows(v))
    return v / jnp.maximum(n, 1e-12)


def _route_tc(x_ref, w_ref, idx_ref, idxf_ref):
    nx = _l2n(x_ref[...]).astype(jnp.bfloat16)
    nw = _l2n(w_ref[...]).astype(jnp.bfloat16)
    sim = jax.lax.dot_general(
        nx, nw,
        dimension_numbers=(((1,), (1,)), ((), ())),
        preferred_element_type=jnp.float32,
    )
    idx = jnp.argmax(sim, axis=1).astype(jnp.int32)
    idx_ref[...] = idx[:, None]
    idxf_ref[...] = idx


@functools.partial(
    pl.kernel,
    out_type=jax.ShapeDtypeStruct((E, B), jnp.float32),
    mesh=plsc.VectorSubcoreMesh(
        core_axis_name="c", subcore_axis_name="s",
        num_cores=NC, num_subcores=NS,
    ),
    scratch_types=[
        pltpu.VMEM((BPW,), jnp.int32),
        pltpu.VMEM((E, BPW), jnp.float32),
    ],
    compiler_params=pltpu.CompilerParams(needs_layout_passes=False),
)
def _onehot_sc(idx_hbm, out_hbm, idx_v, buf_v):
    wid = lax.axis_index("s") * NC + lax.axis_index("c")
    base = wid * BPW
    pltpu.sync_copy(idx_hbm.at[pl.ds(base, BPW)], idx_v)

    zeros = jnp.zeros((16,), jnp.float32)
    ones = jnp.ones((16,), jnp.float32)
    lanes = lax.iota(jnp.int32, 16)

    @plsc.parallel_loop(0, WORDS // 16, unroll=8)
    def _zero(i):
        flat = i * 16 + lanes
        plsc.store_scatter(buf_v, [flat // BPW, flat % BPW], zeros)

    @plsc.parallel_loop(0, BPW // 16, unroll=4)
    def _scatter(g):
        tok = g * 16 + lanes
        tok_idx = idx_v[pl.ds(g * 16, 16)]
        plsc.store_scatter(buf_v, [tok_idx, tok], ones)

    pltpu.sync_copy(buf_v, out_hbm.at[:, pl.ds(base, BPW)])


@jax.jit
def kernel(language_token, routing_embeddings):
    idx, idx_flat = pl.pallas_call(
        _route_tc,
        grid=(B // BLK,),
        in_specs=[
            pl.BlockSpec((BLK, D), lambda i: (i, 0)),
            pl.BlockSpec((E, D), lambda i: (0, 0)),
        ],
        out_specs=[
            pl.BlockSpec((BLK, 1), lambda i: (i, 0)),
            pl.BlockSpec((BLK,), lambda i: (i,)),
        ],
        out_shape=[
            jax.ShapeDtypeStruct((B, 1), jnp.int32),
            jax.ShapeDtypeStruct((B,), jnp.int32),
        ],
    )(language_token, routing_embeddings)
    weights = _onehot_sc(idx_flat).T
    return (weights, idx)

# --- scband reference (transcript-rebuilt; emitter-appended) ---
"""Pipeline reference for scband-prototype-task-gate-38242388803774 (READ-ONLY COPY).

The authoritative reference and input builder live on the scoring server;
editing this copy changes nothing except your own understanding.
"""

import jax, jax.numpy as jnp
import numpy as np

B, D, E = 32768, 768, 64


def _l2_normalize(x, eps=1e-12):
    n = jnp.linalg.norm(x, ord=2, axis=-1, keepdims=True)
    return x / jnp.maximum(n, eps)


def setup_inputs(seed: int = 0) -> dict:
    key = jax.random.key(seed)
    k1, k2 = jax.random.split(key)
    language_token = jax.random.normal(k1, (B, D), dtype=jnp.float32)
    # learned prototype routing embeddings (module param; global `route_embeddings` in torch)
    routing_embeddings = jax.random.normal(k2, (E, D), dtype=jnp.float32)
    return {"language_token": language_token, "routing_embeddings": routing_embeddings}


def reference(language_token, routing_embeddings):
    batch_size = language_token.shape[0]
    n_experts = routing_embeddings.shape[0]
    norm_tokens = _l2_normalize(language_token)
    norm_embeddings = _l2_normalize(routing_embeddings)
    similarities = norm_tokens @ norm_embeddings.T
    indices = jnp.argmax(similarities, axis=-1)
    indices_col = indices[:, None].astype(jnp.int64)
    weights = jnp.zeros((batch_size, n_experts), dtype=jnp.float32)
    weights = weights.at[jnp.arange(batch_size), indices].set(1.0)
    return (weights, indices_col)

if __name__ == "__main__":
    import jax
    _d = setup_inputs()
    print(jax.jit(kernel)(*tuple(_d.values())))

</pallas_src>

<mosaic_0001>
#map = affine_map<(d0, d1) -> (0)>
#map1 = affine_map<(d0, d1) -> (0, 0)>
module attributes {stable_mosaic.version = 14 : i64} {
  func.func @_onehot_sc(%arg0: i32, %arg1: i32, %arg2: memref<32768xi32, #tpu.memory_space<hbm>>, %arg3: memref<64x32768xf32, #tpu.memory_space<hbm>>, %arg4: memref<1024xi32, #tpu.memory_space<vmem>>, %arg5: memref<64x1024xf32, #tpu.memory_space<vmem>>) attributes {dimension_semantics = [#tpu.dimension_semantics<core_parallel>, #tpu.dimension_semantics<subcore_parallel>], iteration_bounds = array<i64: 2, 16>, scalar_prefetch = 0 : i64, scratch_operands = 2 : i64, tpu.core_type = #tpu.core_type<sc_vector_subcore>, window_params = [{transform_indices = #map}, {transform_indices = #map1}]} {
    %mul3A = arith.constant 2 : i32
    %mul3A_0 = arith.muli %arg1, %mul3A : i32
    %add3A = arith.addi %mul3A_0, %arg0 : i32
    %mul3A_1 = arith.constant 1024 : i32
    %mul3A_2 = arith.muli %add3A, %mul3A_1 : i32
    "tpu.region"() ({
      %run_scoped3A = tpu.sem_alloc : memref<!tpu.dma_semaphore, #tpu.memory_space<semaphore_mem>>
      %dma_start3A = tpu.memref_slice %arg2[%mul3A_2] : memref<32768xi32, #tpu.memory_space<hbm>> -> memref<1024xi32, #tpu.memory_space<hbm>>
      %dma_start3A_11 = tpu.memref_slice %arg2[%mul3A_2] : memref<32768xi32, #tpu.memory_space<hbm>> -> memref<1024xi32, #tpu.memory_space<hbm>>
      tpu.enqueue_dma source(%dma_start3A_11 : memref<1024xi32, #tpu.memory_space<hbm>>) target(%arg4 : memref<1024xi32, #tpu.memory_space<vmem>>) target_semaphore(%run_scoped3A : memref<!tpu.dma_semaphore, #tpu.memory_space<semaphore_mem>>)
      %dma_wait3A = tpu.memref_slice %arg2[%mul3A_2] : memref<32768xi32, #tpu.memory_space<hbm>> -> memref<1024xi32, #tpu.memory_space<hbm>>
      %dma_wait3A_12 = tpu.memref_slice %arg2[%mul3A_2] : memref<32768xi32, #tpu.memory_space<hbm>> -> memref<1024xi32, #tpu.memory_space<hbm>>
      tpu.wait_dma2 semaphore(%run_scoped3A : memref<!tpu.dma_semaphore, #tpu.memory_space<semaphore_mem>>) src(%dma_wait3A_12 : memref<1024xi32, #tpu.memory_space<hbm>>) dst(%arg4 : memref<1024xi32, #tpu.memory_space<vmem>>)
      tpu.yield
    }) : () -> ()
    %broadcast_in_dim3A = arith.constant 0.000000e+00 : f32
    %broadcast_in_dim3A_3 = vector.broadcast %broadcast_in_dim3A : f32 to vector<16xf32>
    %broadcast_in_dim3A_4 = arith.constant 1.000000e+00 : f32
    %broadcast_in_dim3A_5 = vector.broadcast %broadcast_in_dim3A_4 : f32 to vector<16xf32>
    %iota3A = tpu.iota {dimensions = array<i32: 0>} : vector<16xi32>
    %parallel_loop3A = arith.constant 0 : i32
    %parallel_loop3A_6 = arith.constant 4096 : i32
    %parallel_loop3A_7 = arith.constant 1 : i32
    scf.for %parallel_loop3A_11 = %parallel_loop3A to %parallel_loop3A_6 step %parallel_loop3A_7  : i32 {
      %parallel_loop3A_12 = arith.constant 16 : i32
      %parallel_loop3A_13 = arith.muli %parallel_loop3A_11, %parallel_loop3A_12 : i32
      %parallel_loop3A_14 = vector.broadcast %parallel_loop3A_13 : i32 to vector<16xi32>
      %parallel_loop3A_15 = arith.addi %parallel_loop3A_14, %iota3A : vector<16xi32>
      %parallel_loop3A_16 = arith.constant 1024 : i32
      %parallel_loop3A_17 = vector.broadcast %parallel_loop3A_16 : i32 to vector<16xi32>
      %parallel_loop3A_18 = arith.divsi %parallel_loop3A_15, %parallel_loop3A_17 : vector<16xi32>
      %parallel_loop3A_19 = arith.constant 0 : i32
      %parallel_loop3A_20 = vector.broadcast %parallel_loop3A_19 : i32 to vector<16xi32>
      %parallel_loop3A_21 = arith.cmpi sgt, %parallel_loop3A_15, %parallel_loop3A_20 : vector<16xi32>
      %parallel_loop3A_22 = arith.extui %parallel_loop3A_21 : vector<16xi1> to vector<16xi32>
      %parallel_loop3A_23 = arith.constant 0 : i32
      %parallel_loop3A_24 = vector.broadcast %parallel_loop3A_23 : i32 to vector<16xi32>
      %parallel_loop3A_25 = arith.cmpi slt, %parallel_loop3A_15, %parallel_loop3A_24 : vector<16xi32>
      %parallel_loop3A_26 = arith.extui %parallel_loop3A_25 : vector<16xi1> to vector<16xi32>
      %parallel_loop3A_27 = arith.subi %parallel_loop3A_22, %parallel_loop3A_26 : vector<16xi32>
      %parallel_loop3A_28 = arith.constant 0 : i32
      %parallel_loop3A_29 = arith.cmpi sgt, %parallel_loop3A_16, %parallel_loop3A_28 : i32
      %parallel_loop3A_30 = arith.extui %parallel_loop3A_29 : i1 to i32
      %parallel_loop3A_31 = arith.constant 0 : i32
      %parallel_loop3A_32 = arith.cmpi slt, %parallel_loop3A_16, %parallel_loop3A_31 : i32
      %parallel_loop3A_33 = arith.extui %parallel_loop3A_32 : i1 to i32
      %parallel_loop3A_34 = arith.subi %parallel_loop3A_30, %parallel_loop3A_33 : i32
      %parallel_loop3A_35 = vector.broadcast %parallel_loop3A_34 : i32 to vector<16xi32>
      %parallel_loop3A_36 = arith.cmpi ne, %parallel_loop3A_27, %parallel_loop3A_35 : vector<16xi32>
      %parallel_loop3A_37 = vector.broadcast %parallel_loop3A_16 : i32 to vector<16xi32>
      %parallel_loop3A_38 = arith.remsi %parallel_loop3A_15, %parallel_loop3A_37 : vector<16xi32>
      %parallel_loop3A_39 = arith.constant 0 : i32
      %parallel_loop3A_40 = vector.broadcast %parallel_loop3A_39 : i32 to vector<16xi32>
      %parallel_loop3A_41 = arith.cmpi ne, %parallel_loop3A_38, %parallel_loop3A_40 : vector<16xi32>
      %parallel_loop3A_42 = arith.andi %parallel_loop3A_36, %parallel_loop3A_41 : vector<16xi1>
      %parallel_loop3A_43 = arith.constant 1 : i32
      %parallel_loop3A_44 = vector.broadcast %parallel_loop3A_43 : i32 to vector<16xi32>
      %parallel_loop3A_45 = arith.subi %parallel_loop3A_18, %parallel_loop3A_44 : vector<16xi32>
      %parallel_loop3A_46 = arith.select %parallel_loop3A_42, %parallel_loop3A_45, %parallel_loop3A_18 : vector<16xi1>, vector<16xi32>
      %parallel_loop3A_47 = arith.constant 1024 : i32
      %parallel_loop3A_48 = arith.constant 0 : i32
      %parallel_loop3A_49 = arith.cmpi eq, %parallel_loop3A_47, %parallel_loop3A_48 : i32
      %parallel_loop3A_50 = arith.constant 1 : i32
      %parallel_loop3A_51 = arith.select %parallel_loop3A_49, %parallel_loop3A_50, %parallel_loop3A_47 : i32
      %parallel_loop3A_52 = vector.broadcast %parallel_loop3A_51 : i32 to vector<16xi32>
      %parallel_loop3A_53 = arith.remsi %parallel_loop3A_15, %parallel_loop3A_52 : vector<16xi32>
      %parallel_loop3A_54 = arith.constant 0 : i32
      %parallel_loop3A_55 = vector.broadcast %parallel_loop3A_54 : i32 to vector<16xi32>
      %parallel_loop3A_56 = arith.cmpi ne, %parallel_loop3A_53, %parallel_loop3A_55 : vector<16xi32>
      %parallel_loop3A_57 = arith.constant 0 : i32
      %parallel_loop3A_58 = vector.broadcast %parallel_loop3A_57 : i32 to vector<16xi32>
      %parallel_loop3A_59 = arith.cmpi slt, %parallel_loop3A_53, %parallel_loop3A_58 : vector<16xi32>
      %parallel_loop3A_60 = arith.constant 0 : i32
      %parallel_loop3A_61 = arith.cmpi slt, %parallel_loop3A_51, %parallel_loop3A_60 : i32
      %parallel_loop3A_62 = vector.broadcast %parallel_loop3A_61 : i1 to vector<16xi1>
      %parallel_loop3A_63 = vector.broadcast %parallel_loop3A_62 : vector<16xi1> to vector<16xi1>
      %parallel_loop3A_64 = arith.xori %parallel_loop3A_59, %parallel_loop3A_63 : vector<16xi1>
      %parallel_loop3A_65 = arith.andi %parallel_loop3A_64, %parallel_loop3A_56 : vector<16xi1>
      %parallel_loop3A_66 = vector.broadcast %parallel_loop3A_51 : i32 to vector<16xi32>
      %parallel_loop3A_67 = arith.addi %parallel_loop3A_53, %parallel_loop3A_66 : vector<16xi32>
      %parallel_loop3A_68 = arith.select %parallel_loop3A_65, %parallel_loop3A_67, %parallel_loop3A_53 : vector<16xi1>, vector<16xi32>
      tpu.vector_store_idx %arg5[%parallel_loop3A_46, %parallel_loop3A_68], %broadcast_in_dim3A_3 : memref<64x1024xf32, #tpu.memory_space<vmem>>[vector<16xi32>, vector<16xi32>], vector<16xf32>,
    } {sc.loop_unroll_factor = 8 : i64, sc.parallel_access}
    %parallel_loop3A_8 = arith.constant 0 : i32
    %parallel_loop3A_9 = arith.constant 64 : i32
    %parallel_loop3A_10 = arith.constant 1 : i32
    scf.for %parallel_loop3A_11 = %parallel_loop3A_8 to %parallel_loop3A_9 step %parallel_loop3A_10  : i32 {
      %parallel_loop3A_12 = arith.constant 16 : i32
      %parallel_loop3A_13 = arith.muli %parallel_loop3A_11, %parallel_loop3A_12 : i32
      %parallel_loop3A_14 = vector.broadcast %parallel_loop3A_13 : i32 to vector<16xi32>
      %parallel_loop3A_15 = arith.addi %parallel_loop3A_14, %iota3A : vector<16xi32>
      %parallel_loop3A_16 = arith.constant 16 : i32
      %parallel_loop3A_17 = arith.muli %parallel_loop3A_11, %parallel_loop3A_16 : i32
      %parallel_loop3A_18 = arith.index_cast %parallel_loop3A_17 : i32 to index
      %parallel_loop3A_19 = tpu.vector_load %arg4[%parallel_loop3A_18] {strides = array<i32>} : memref<1024xi32, #tpu.memory_space<vmem>>, vector<16xi32>,
      tpu.vector_store_idx %arg5[%parallel_loop3A_19, %parallel_loop3A_15], %broadcast_in_dim3A_5 : memref<64x1024xf32, #tpu.memory_space<vmem>>[vector<16xi32>, vector<16xi32>], vector<16xf32>,
    } {sc.loop_unroll_factor = 4 : i64, sc.parallel_access}
    "tpu.region"() ({
      %run_scoped3A = tpu.sem_alloc : memref<!tpu.dma_semaphore, #tpu.memory_space<semaphore_mem>>
      %dma_start3A = arith.constant 0 : i32
      %dma_start3A_11 = tpu.memref_slice %arg3[%dma_start3A, %mul3A_2] : memref<64x32768xf32, #tpu.memory_space<hbm>> -> memref<64x1024xf32, #tpu.memory_space<hbm>>
      %dma_start3A_12 = arith.constant 0 : i32
      %dma_start3A_13 = tpu.memref_slice %arg3[%dma_start3A_12, %mul3A_2] : memref<64x32768xf32, #tpu.memory_space<hbm>> -> memref<64x1024xf32, #tpu.memory_space<hbm>>
      tpu.enqueue_dma source(%arg5 : memref<64x1024xf32, #tpu.memory_space<vmem>>) target(%dma_start3A_13 : memref<64x1024xf32, #tpu.memory_space<hbm>>) target_semaphore(%run_scoped3A : memref<!tpu.dma_semaphore, #tpu.memory_space<semaphore_mem>>)
      %dma_wait3A = arith.constant 0 : i32
      %dma_wait3A_14 = tpu.memref_slice %arg3[%dma_wait3A, %mul3A_2] : memref<64x32768xf32, #tpu.memory_space<hbm>> -> memref<64x1024xf32, #tpu.memory_space<hbm>>
      %dma_wait3A_15 = arith.constant 0 : i32
      %dma_wait3A_16 = tpu.memref_slice %arg3[%dma_wait3A_15, %mul3A_2] : memref<64x32768xf32, #tpu.memory_space<hbm>> -> memref<64x1024xf32, #tpu.memory_space<hbm>>
      tpu.wait_dma2 semaphore(%run_scoped3A : memref<!tpu.dma_semaphore, #tpu.memory_space<semaphore_mem>>) src(%arg5 : memref<64x1024xf32, #tpu.memory_space<vmem>>) dst(%dma_wait3A_16 : memref<64x1024xf32, #tpu.memory_space<hbm>>)
      tpu.yield
    }) : () -> ()
    return
  }
}

module attributes {stable_mosaic.version = 14 : i64} {
  func.func @_route_tc(%arg0: i32, %arg1: memref<2048x768xf32, #tpu.memory_space<vmem>>, %arg2: memref<64x768xf32, #tpu.memory_space<vmem>>, %arg3: memref<2048x1xi32, #tpu.memory_space<vmem>>, %arg4: memref<2048xi32, #tpu.memory_space<vmem>>) attributes {dimension_semantics = [#tpu.dimension_semantics<arbitrary>], iteration_bounds = array<i64: 16>, scalar_prefetch = 0 : i64, scratch_operands = 0 : i64, tpu.core_type = #tpu.core_type<tc>, window_params = [{transform_indices = @transform_0, window_bounds = array<i64: 2048, 768>}, {pipeline_mode = #tpu.pipeline_mode<synchronous>, transform_indices = @transform_1, window_bounds = array<i64: 64, 768>}, {transform_indices = @transform_2, window_bounds = array<i64: 2048, 1>}, {transform_indices = @transform_3, window_bounds = array<i64: 2048>}]} {
    %get3A = arith.constant 0 : index
    %get3A_0 = arith.constant 0 : index
    %get3A_1 = vector.load %arg1[%get3A, %get3A_0] : memref<2048x768xf32, #tpu.memory_space<vmem>>, vector<2048x768xf32>
    %mul3A = arith.mulf %get3A_1, %get3A_1 : vector<2048x768xf32>
    %slice3A = vector.extract_strided_slice %mul3A {offsets = [0, 0], sizes = [2048, 128], strides = [1, 1]} : vector<2048x768xf32> to vector<2048x128xf32>
    %slice3A_2 = vector.extract_strided_slice %mul3A {offsets = [0, 128], sizes = [2048, 128], strides = [1, 1]} : vector<2048x768xf32> to vector<2048x128xf32>
    %slice3A_3 = vector.extract_strided_slice %mul3A {offsets = [0, 256], sizes = [2048, 128], strides = [1, 1]} : vector<2048x768xf32> to vector<2048x128xf32>
    %slice3A_4 = vector.extract_strided_slice %mul3A {offsets = [0, 384], sizes = [2048, 128], strides = [1, 1]} : vector<2048x768xf32> to vector<2048x128xf32>
    %slice3A_5 = vector.extract_strided_slice %mul3A {offsets = [0, 512], sizes = [2048, 128], strides = [1, 1]} : vector<2048x768xf32> to vector<2048x128xf32>
    %slice3A_6 = vector.extract_strided_slice %mul3A {offsets = [0, 640], sizes = [2048, 128], strides = [1, 1]} : vector<2048x768xf32> to vector<2048x128xf32>
    %add3A = arith.addf %slice3A, %slice3A_2 : vector<2048x128xf32>
    %add3A_7 = arith.addf %slice3A_3, %slice3A_4 : vector<2048x128xf32>
    %add3A_8 = arith.addf %add3A, %add3A_7 : vector<2048x128xf32>
    %add3A_9 = arith.addf %slice3A_5, %slice3A_6 : vector<2048x128xf32>
    %add3A_10 = arith.addf %add3A_8, %add3A_9 : vector<2048x128xf32>
    %transpose3A = tpu.transpose %add3A_10, [1, 0] : vector<2048x128xf32> -> vector<128x2048xf32>
    %slice3A_11 = vector.extract_strided_slice %transpose3A {offsets = [0, 0], sizes = [8, 2048], strides = [1, 1]} : vector<128x2048xf32> to vector<8x2048xf32>
    %slice3A_12 = vector.extract_strided_slice %transpose3A {offsets = [8, 0], sizes = [8, 2048], strides = [1, 1]} : vector<128x2048xf32> to vector<8x2048xf32>
    %add3A_13 = arith.addf %slice3A_11, %slice3A_12 : vector<8x2048xf32>
    %slice3A_14 = vector.extract_strided_slice %transpose3A {offsets = [16, 0], sizes = [8, 2048], strides = [1, 1]} : vector<128x2048xf32> to vector<8x2048xf32>
    %add3A_15 = arith.addf %add3A_13, %slice3A_14 : vector<8x2048xf32>
    %slice3A_16 = vector.extract_strided_slice %transpose3A {offsets = [24, 0], sizes = [8, 2048], strides = [1, 1]} : vector<128x2048xf32> to vector<8x2048xf32>
    %add3A_17 = arith.addf %add3A_15, %slice3A_16 : vector<8x2048xf32>
    %slice3A_18 = vector.extract_strided_slice %transpose3A {offsets = [32, 0], sizes = [8, 2048], strides = [1, 1]} : vector<128x2048xf32> to vector<8x2048xf32>
    %add3A_19 = arith.addf %add3A_17, %slice3A_18 : vector<8x2048xf32>
    %slice3A_20 = vector.extract_strided_slice %transpose3A {offsets = [40, 0], sizes = [8, 2048], strides = [1, 1]} : vector<128x2048xf32> to vector<8x2048xf32>
    %add3A_21 = arith.addf %add3A_19, %slice3A_20 : vector<8x2048xf32>
    %slice3A_22 = vector.extract_strided_slice %transpose3A {offsets = [48, 0], sizes = [8, 2048], strides = [1, 1]} : vector<128x2048xf32> to vector<8x2048xf32>
    %add3A_23 = arith.addf %add3A_21, %slice3A_22 : vector<8x2048xf32>
    %slice3A_24 = vector.extract_strided_slice %transpose3A {offsets = [56, 0], sizes = [8, 2048], strides = [1, 1]} : vector<128x2048xf32> to vector<8x2048xf32>
    %add3A_25 = arith.addf %add3A_23, %slice3A_24 : vector<8x2048xf32>
    %slice3A_26 = vector.extract_strided_slice %transpose3A {offsets = [64, 0], sizes = [8, 2048], strides = [1, 1]} : vector<128x2048xf32> to vector<8x2048xf32>
    %add3A_27 = arith.addf %add3A_25, %slice3A_26 : vector<8x2048xf32>
    %slice3A_28 = vector.extract_strided_slice %transpose3A {offsets = [72, 0], sizes = [8, 2048], strides = [1, 1]} : vector<128x2048xf32> to vector<8x2048xf32>
    %add3A_29 = arith.addf %add3A_27, %slice3A_28 : vector<8x2048xf32>
    %slice3A_30 = vector.extract_strided_slice %transpose3A {offsets = [80, 0], sizes = [8, 2048], strides = [1, 1]} : vector<128x2048xf32> to vector<8x2048xf32>
    %add3A_31 = arith.addf %add3A_29, %slice3A_30 : vector<8x2048xf32>
    %slice3A_32 = vector.extract_strided_slice %transpose3A {offsets = [88, 0], sizes = [8, 2048], strides = [1, 1]} : vector<128x2048xf32> to vector<8x2048xf32>
    %add3A_33 = arith.addf %add3A_31, %slice3A_32 : vector<8x2048xf32>
    %slice3A_34 = vector.extract_strided_slice %transpose3A {offsets = [96, 0], sizes = [8, 2048], strides = [1, 1]} : vector<128x2048xf32> to vector<8x2048xf32>
    %add3A_35 = arith.addf %add3A_33, %slice3A_34 : vector<8x2048xf32>
    %slice3A_36 = vector.extract_strided_slice %transpose3A {offsets = [104, 0], sizes = [8, 2048], strides = [1, 1]} : vector<128x2048xf32> to vector<8x2048xf32>
    %add3A_37 = arith.addf %add3A_35, %slice3A_36 : vector<8x2048xf32>
    %slice3A_38 = vector.extract_strided_slice %transpose3A {offsets = [112, 0], sizes = [8, 2048], strides = [1, 1]} : vector<128x2048xf32> to vector<8x2048xf32>
    %add3A_39 = arith.addf %add3A_37, %slice3A_38 : vector<8x2048xf32>
    %slice3A_40 = vector.extract_strided_slice %transpose3A {offsets = [120, 0], sizes = [8, 2048], strides = [1, 1]} : vector<128x2048xf32> to vector<8x2048xf32>
    %add3A_41 = arith.addf %add3A_39, %slice3A_40 : vector<8x2048xf32>
    %slice3A_42 = vector.extract_strided_slice %add3A_41 {offsets = [0, 0], sizes = [4, 2048], strides = [1, 1]} : vector<8x2048xf32> to vector<4x2048xf32>
    %slice3A_43 = vector.extract_strided_slice %add3A_41 {offsets = [4, 0], sizes = [4, 2048], strides = [1, 1]} : vector<8x2048xf32> to vector<4x2048xf32>
    %add3A_44 = arith.addf %slice3A_42, %slice3A_43 : vector<4x2048xf32>
    %slice3A_45 = vector.extract_strided_slice %add3A_44 {offsets = [0, 0], sizes = [2, 2048], strides = [1, 1]} : vector<4x2048xf32> to vector<2x2048xf32>
    %slice3A_46 = vector.extract_strided_slice %add3A_44 {offsets = [2, 0], sizes = [2, 2048], strides = [1, 1]} : vector<4x2048xf32> to vector<2x2048xf32>
    %add3A_47 = arith.addf %slice3A_45, %slice3A_46 : vector<2x2048xf32>
    %slice3A_48 = vector.extract_strided_slice %add3A_47 {offsets = [0, 0], sizes = [1, 2048], strides = [1, 1]} : vector<2x2048xf32> to vector<1x2048xf32>
    %slice3A_49 = vector.extract_strided_slice %add3A_47 {offsets = [1, 0], sizes = [1, 2048], strides = [1, 1]} : vector<2x2048xf32> to vector<1x2048xf32>
    %add3A_50 = arith.addf %slice3A_48, %slice3A_49 : vector<1x2048xf32>
    %transpose3A_51 = tpu.transpose %add3A_50, [1, 0] : vector<1x2048xf32> -> vector<2048x1xf32>
    %sqrt3A = math.sqrt %transpose3A_51 : vector<2048x1xf32>
    %max3A = arith.constant 9.99999996E-13 : f32
    %max3A_52 = vector.broadcast %max3A : f32 to vector<2048x1xf32>
    %max3A_53 = arith.maximumf %sqrt3A, %max3A_52 : vector<2048x1xf32>
    %div3A = vector.broadcast %max3A_53 : vector<2048x1xf32> to vector<2048x768xf32>
    %div3A_54 = arith.divf %get3A_1, %div3A : vector<2048x768xf32>
    %convert_element_type3A = arith.truncf %div3A_54 : vector<2048x768xf32> to vector<2048x768xbf16>
    %get3A_55 = arith.constant 0 : index
    %get3A_56 = arith.constant 0 : index
    %get3A_57 = vector.load %arg2[%get3A_55, %get3A_56] : memref<64x768xf32, #tpu.memory_space<vmem>>, vector<64x768xf32>
    %mul3A_58 = arith.mulf %get3A_57, %get3A_57 : vector<64x768xf32>
    %slice3A_59 = vector.extract_strided_slice %mul3A_58 {offsets = [0, 0], sizes = [64, 128], strides = [1, 1]} : vector<64x768xf32> to vector<64x128xf32>
    %slice3A_60 = vector.extract_strided_slice %mul3A_58 {offsets = [0, 128], sizes = [64, 128], strides = [1, 1]} : vector<64x768xf32> to vector<64x128xf32>
    %slice3A_61 = vector.extract_strided_slice %mul3A_58 {offsets = [0, 256], sizes = [64, 128], strides = [1, 1]} : vector<64x768xf32> to vector<64x128xf32>
    %slice3A_62 = vector.extract_strided_slice %mul3A_58 {offsets = [0, 384], sizes = [64, 128], strides = [1, 1]} : vector<64x768xf32> to vector<64x128xf32>
    %slice3A_63 = vector.extract_strided_slice %mul3A_58 {offsets = [0, 512], sizes = [64, 128], strides = [1, 1]} : vector<64x768xf32> to vector<64x128xf32>
    %slice3A_64 = vector.extract_strided_slice %mul3A_58 {offsets = [0, 640], sizes = [64, 128], strides = [1, 1]} : vector<64x768xf32> to vector<64x128xf32>
    %add3A_65 = arith.addf %slice3A_59, %slice3A_60 : vector<64x128xf32>
    %add3A_66 = arith.addf %slice3A_61, %slice3A_62 : vector<64x128xf32>
    %add3A_67 = arith.addf %add3A_65, %add3A_66 : vector<64x128xf32>
    %add3A_68 = arith.addf %slice3A_63, %slice3A_64 : vector<64x128xf32>
    %add3A_69 = arith.addf %add3A_67, %add3A_68 : vector<64x128xf32>
    %transpose3A_70 = tpu.transpose %add3A_69, [1, 0] : vector<64x128xf32> -> vector<128x64xf32>
    %slice3A_71 = vector.extract_strided_slice %transpose3A_70 {offsets = [0, 0], sizes = [8, 64], strides = [1, 1]} : vector<128x64xf32> to vector<8x64xf32>
    %slice3A_72 = vector.extract_strided_slice %transpose3A_70 {offsets = [8, 0], sizes = [8, 64], strides = [1, 1]} : vector<128x64xf32> to vector<8x64xf32>
    %add3A_73 = arith.addf %slice3A_71, %slice3A_72 : vector<8x64xf32>
    %slice3A_74 = vector.extract_strided_slice %transpose3A_70 {offsets = [16, 0], sizes = [8, 64], strides = [1, 1]} : vector<128x64xf32> to vector<8x64xf32>
    %add3A_75 = arith.addf %add3A_73, %slice3A_74 : vector<8x64xf32>
    %slice3A_76 = vector.extract_strided_slice %transpose3A_70 {offsets = [24, 0], sizes = [8, 64], strides = [1, 1]} : vector<128x64xf32> to vector<8x64xf32>
    %add3A_77 = arith.addf %add3A_75, %slice3A_76 : vector<8x64xf32>
    %slice3A_78 = vector.extract_strided_slice %transpose3A_70 {offsets = [32, 0], sizes = [8, 64], strides = [1, 1]} : vector<128x64xf32> to vector<8x64xf32>
    %add3A_79 = arith.addf %add3A_77, %slice3A_78 : vector<8x64xf32>
    %slice3A_80 = vector.extract_strided_slice %transpose3A_70 {offsets = [40, 0], sizes = [8, 64], strides = [1, 1]} : vector<128x64xf32> to vector<8x64xf32>
    %add3A_81 = arith.addf %add3A_79, %slice3A_80 : vector<8x64xf32>
    %slice3A_82 = vector.extract_strided_slice %transpose3A_70 {offsets = [48, 0], sizes = [8, 64], strides = [1, 1]} : vector<128x64xf32> to vector<8x64xf32>
    %add3A_83 = arith.addf %add3A_81, %slice3A_82 : vector<8x64xf32>
    %slice3A_84 = vector.extract_strided_slice %transpose3A_70 {offsets = [56, 0], sizes = [8, 64], strides = [1, 1]} : vector<128x64xf32> to vector<8x64xf32>
    %add3A_85 = arith.addf %add3A_83, %slice3A_84 : vector<8x64xf32>
    %slice3A_86 = vector.extract_strided_slice %transpose3A_70 {offsets = [64, 0], sizes = [8, 64], strides = [1, 1]} : vector<128x64xf32> to vector<8x64xf32>
    %add3A_87 = arith.addf %add3A_85, %slice3A_86 : vector<8x64xf32>
    %slice3A_88 = vector.extract_strided_slice %transpose3A_70 {offsets = [72, 0], sizes = [8, 64], strides = [1, 1]} : vector<128x64xf32> to vector<8x64xf32>
    %add3A_89 = arith.addf %add3A_87, %slice3A_88 : vector<8x64xf32>
    %slice3A_90 = vector.extract_strided_slice %transpose3A_70 {offsets = [80, 0], sizes = [8, 64], strides = [1, 1]} : vector<128x64xf32> to vector<8x64xf32>
    %add3A_91 = arith.addf %add3A_89, %slice3A_90 : vector<8x64xf32>
    %slice3A_92 = vector.extract_strided_slice %transpose3A_70 {offsets = [88, 0], sizes = [8, 64], strides = [1, 1]} : vector<128x64xf32> to vector<8x64xf32>
    %add3A_93 = arith.addf %add3A_91, %slice3A_92 : vector<8x64xf32>
    %slice3A_94 = vector.extract_strided_slice %transpose3A_70 {offsets = [96, 0], sizes = [8, 64], strides = [1, 1]} : vector<128x64xf32> to vector<8x64xf32>
    %add3A_95 = arith.addf %add3A_93, %slice3A_94 : vector<8x64xf32>
    %slice3A_96 = vector.extract_strided_slice %transpose3A_70 {offsets = [104, 0], sizes = [8, 64], strides = [1, 1]} : vector<128x64xf32> to vector<8x64xf32>
    %add3A_97 = arith.addf %add3A_95, %slice3A_96 : vector<8x64xf32>
    %slice3A_98 = vector.extract_strided_slice %transpose3A_70 {offsets = [112, 0], sizes = [8, 64], strides = [1, 1]} : vector<128x64xf32> to vector<8x64xf32>
    %add3A_99 = arith.addf %add3A_97, %slice3A_98 : vector<8x64xf32>
    %slice3A_100 = vector.extract_strided_slice %transpose3A_70 {offsets = [120, 0], sizes = [8, 64], strides = [1, 1]} : vector<128x64xf32> to vector<8x64xf32>
    %add3A_101 = arith.addf %add3A_99, %slice3A_100 : vector<8x64xf32>
    %slice3A_102 = vector.extract_strided_slice %add3A_101 {offsets = [0, 0], sizes = [4, 64], strides = [1, 1]} : vector<8x64xf32> to vector<4x64xf32>
    %slice3A_103 = vector.extract_strided_slice %add3A_101 {offsets = [4, 0], sizes = [4, 64], strides = [1, 1]} : vector<8x64xf32> to vector<4x64xf32>
    %add3A_104 = arith.addf %slice3A_102, %slice3A_103 : vector<4x64xf32>
    %slice3A_105 = vector.extract_strided_slice %add3A_104 {offsets = [0, 0], sizes = [2, 64], strides = [1, 1]} : vector<4x64xf32> to vector<2x64xf32>
    %slice3A_106 = vector.extract_strided_slice %add3A_104 {offsets = [2, 0], sizes = [2, 64], strides = [1, 1]} : vector<4x64xf32> to vector<2x64xf32>
    %add3A_107 = arith.addf %slice3A_105, %slice3A_106 : vector<2x64xf32>
    %slice3A_108 = vector.extract_strided_slice %add3A_107 {offsets = [0, 0], sizes = [1, 64], strides = [1, 1]} : vector<2x64xf32> to vector<1x64xf32>
    %slice3A_109 = vector.extract_strided_slice %add3A_107 {offsets = [1, 0], sizes = [1, 64], strides = [1, 1]} : vector<2x64xf32> to vector<1x64xf32>
    %add3A_110 = arith.addf %slice3A_108, %slice3A_109 : vector<1x64xf32>
    %transpose3A_111 = tpu.transpose %add3A_110, [1, 0] : vector<1x64xf32> -> vector<64x1xf32>
    %sqrt3A_112 = math.sqrt %transpose3A_111 : vector<64x1xf32>
    %max3A_113 = arith.constant 9.99999996E-13 : f32
    %max3A_114 = vector.broadcast %max3A_113 : f32 to vector<64x1xf32>
    %max3A_115 = arith.maximumf %sqrt3A_112, %max3A_114 : vector<64x1xf32>
    %div3A_116 = vector.broadcast %max3A_115 : vector<64x1xf32> to vector<64x768xf32>
    %div3A_117 = arith.divf %get3A_57, %div3A_116 : vector<64x768xf32>
    %convert_element_type3A_118 = arith.truncf %div3A_117 : vector<64x768xf32> to vector<64x768xbf16>
    %dot_general3A = arith.constant dense<0.000000e+00> : vector<2048x64xf32>
    %dot_general3A_119 = tpu.matmul %convert_element_type3A, %convert_element_type3A_118, %dot_general3A {dimension_numbers = #tpu.dot_dimension_numbers<[1], [1], [0], [0], [0, 0, 1, 0], [], []>, transpose_lhs_hint = false} : vector<2048x768xbf16>, vector<64x768xbf16>, vector<2048x64xf32> -> vector<2048x64xf32>
    %argmax3A = tpu.reduce_index %dot_general3A_119 {axis = 1 : i32, kind = #tpu.reduction_kind<arg_max>} : vector<2048x64xf32> -> vector<2048xi32>
    %broadcast_in_dim3A = vector.shape_cast %argmax3A : vector<2048xi32> to vector<2048x1xi32>
    %swap3A = arith.constant 0 : index
    %swap3A_120 = arith.constant 0 : index
    %swap3A_121 = vector.load %arg3[%swap3A, %swap3A_120] : memref<2048x1xi32, #tpu.memory_space<vmem>>, vector<2048x1xi32>
    tpu.vector_store %arg3[%swap3A, %swap3A_120], %broadcast_in_dim3A {strides = array<i32>} : memref<2048x1xi32, #tpu.memory_space<vmem>>, vector<2048x1xi32>,
    %swap3A_122 = arith.constant 0 : index
    %swap3A_123 = vector.load %arg4[%swap3A_122] : memref<2048xi32, #tpu.memory_space<vmem>>, vector<2048xi32>
    tpu.vector_store %arg4[%swap3A_122], %argmax3A {strides = array<i32>} : memref<2048xi32, #tpu.memory_space<vmem>>, vector<2048xi32>,
    return
  }
  func.func @transform_0(%arg0: i32) -> (i32, i32) {
    %c0_i32 = arith.constant 0 : i32
    %c0_i32_0 = arith.constant 0 : i32
    return %arg0, %c0_i32 : i32, i32
  }
  func.func @transform_1(%arg0: i32) -> (i32, i32) {
    %c0_i32 = arith.constant 0 : i32
    %c0_i32_0 = arith.constant 0 : i32
    %c0_i32_1 = arith.constant 0 : i32
    return %c0_i32, %c0_i32_0 : i32, i32
  }
  func.func @transform_2(%arg0: i32) -> (i32, i32) {
    %c0_i32 = arith.constant 0 : i32
    %c0_i32_0 = arith.constant 0 : i32
    return %arg0, %c0_i32 : i32, i32
  }
  func.func @transform_3(%arg0: i32) -> i32 {
    %c0_i32 = arith.constant 0 : i32
    return %arg0 : i32
  }
}

</mosaic_0001>

<sc_bundles>
// kernel: kernel.4.cloned.1.call-start
scs
__scs_entry_jumppad:
0x0: {  	(pc) =	sbr.rel $0x88, $3  }
0x1: {  	(tag) =	ssettag $0x0;
	lr =	simm.s32 $0x1  }
0x2: {  	[smem:$0x3F9F] =	sst lr;
	_ =	strace $0xD0000000  }
0x3: {  	_ = 	snop  }
0x4: {  	_ = 	snop  }
0x5: {  	_ = 	snop  }
0x6: {  	_ = 	snop  }
0x7: {  	_ = 	snop  }
__scs_overlays_trampoline_lowered:
0x8: {  	[smem:$0x3FAE] =	sst s0  }
0x9: {  	[smem:$0x3FAF] =	sst s1  }
0xa: {  	[smem:$0x3FB0] =	sst s2  }
0xb: {  	[smem:$0x3FB1] =	sst s3  }
0xc: {  	[smem:$0x3FB2] =	sst s4  }
0xd: {  	[smem:$0x3FB3] =	sst s5  }
0xe: {  	[smem:$0x3FB4] =	sst s6  }
0xf: {  	[smem:$0x3FB5] =	sst s7  }
0x10: {  	[smem:$0x3FB6] =	sst s8  }
0x11: {  	[smem:$0x3FB7] =	sst s9;
	s0 =	simm.s32 @!p0 $0x0  }
0x12: {  	s1 =	sld [smem:$0x3F9D];
	s0 =	simm.s32 @p0 $0x1  }
0x13: {  	[smem:$0x3FB8] =	sst s0;
	s0 =	simm.s32 @!p1 $0x0  }
0x14: {  	s2 =	sld [smem:$0x3F9C];
	s0 =	simm.s32 @p1 $0x1  }
0x15: {  	[smem:$0x3FB9] =	sst s0;
	s0 =	simm.s32 @!p2 $0x0  }
0x16: {  	s3 =	sld [smem:$0x3FDB];
	s0 =	simm.s32 @p2 $0x1  }
0x17: {  	s4 =	simm.s32 $0x1BF5;
	[smem:$0x3FBB] =	sst s0  }
0x18: {  	s0 =	sld [smem:$0x3F9E];
	_ =	swait.ge [sflag:s4], $0x0  }
0x19: {  	s7 =	sld [smem:$0x3F9F]  }
0x1a: {  	s8 =	sadd.s32 $0xFFFFE003, lr  }
0x1b: {  	s9 =	sadd.s32 $0xFFFFFEF7, lr;
	s5 =	simm.s32 $0xFFFFFFFF;
	p2 =	slt.u32 s8, $0xFFFFF086  }
0x1c: {  	p1 =	slt.u32 s9, $0xF7A;
	s5 =	simm.s32 @!p2 $0x0  }
0x1d: {  	s5 =	simm.s32 @p1 $0x1;
	p0 =	seq.s32 s7, s2  }
0x1e: {  	s7 =	smul.u32 @!p0 $0xF7A, s2;
	p2 =	seq.s32 @!p0 s5, $0x0  }
0x1f: {  	s9 =	smul.u32 $0xF7A, s1;
	s8 =	simm.s32 @!p0 $0x1BF5;
	p2 =	por !p2, p0  }
0x20: {  	[sflag:s8] =	ssyncset.s32 @!p0 $0xFFFFF086;
	s6 =	sadd.s32 @!p0 s3, s7;
	s7 =	simm.s32 @!p0 $0x108  }
0x21: {  	s3 =	sadd.s32 s3, s9;
	s6 =	sadd.s32 @!p0 $0x88, s6;
	s7 =	simm.s32 @p2 $0x1082  }
0x22: {  	[simem:s7], [sflag:s8] =	dma.local @!p0 [hbm:s6], $0xF7A  }
0x23: {  	s9 =	sor.u32 $0xD0000000, s2;
	s6 =	simm.s32 $0x108;
	_ =	swait.ge @!p0 [sflag:s8], $0x0  }
0x24: {  	s3 =	sadd.s32 $0x88, s3;
	s6 =	simm.s32 @!p1 $0x1082;
	[sflag:s4] =	ssyncset.s32 $0xFFFFF086  }
0x25: {  	[simem:s6], [sflag:s4] =	dma.local [hbm:s3], $0xF7A  }
0x26: {  	[smem:$0x3F9F] =	sst s1;
	(tag) =	ssettag s2;
	_ =	strace s9  }
0x27: {  	s1 =	sld [smem:$0x3FAF]  }
0x28: {  	s2 =	sld [smem:$0x3FB0]  }
0x29: {  	s4 =	sld [smem:$0x3FB2]  }
0x2a: {  	p0 =	seq.s32 s5, $0x0;
	s5 =	sld [smem:$0x3FB3]  }
0x2b: {  	s6 =	sld [smem:$0x3FB4]  }
0x2c: {  	s7 =	sld [smem:$0x3FB5]  }
0x2d: {  	s3 =	simm.s32 $0x108;
	s8 =	sld [smem:$0x3FB6]  }
0x2e: {  	s3 =	simm.s32 @!p0 $0x1082;
	s9 =	sld [smem:$0x3FB7]  }
0x2f: {  	lr =	sadd.s32 s0, s3;
	s0 =	sld [smem:$0x3FAE]  }
0x30: {  	s3 =	sld [smem:$0x3FB1]  }
0x31: {  	[smem:$0x3FBA] =	sst s10  }
0x32: {  	s10 =	sld [smem:$0x3FB8];
	_ =	sdelay $0x3  }
0x33: {  	p0 =	seq.s32 s10, $0x1;
	s10 =	sld [smem:$0x3FBA];
	_ =	sdelay $0x3  }
0x34: {  	[smem:$0x3FBA] =	sst s10  }
0x35: {  	s10 =	sld [smem:$0x3FB9];
	_ =	sdelay $0x3  }
0x36: {  	p1 =	seq.s32 s10, $0x1;
	s10 =	sld [smem:$0x3FBA];
	_ =	sdelay $0x3  }
0x37: {  	[smem:$0x3FBA] =	sst s10  }
0x38: {  	s10 =	sld [smem:$0x3FBB]  }
0x39: {  	_ = 	snop;
	(pc) =	sbr.ind lr, $3  }
0x3a: {  	_ = 	snop  }
0x3b: {  	_ = 	snop  }
0x3c: {  	p2 =	seq.s32 s10, $0x1;
	s10 =	sld [smem:$0x3FBA]  }
0x3d: {  	_ =	shalt  }
0x3e: {  	_ =	shalt  }
0x3f: {  	_ =	shalt  }
0x40: {  	_ =	shalt  }
0x41: {  	_ =	shalt  }
0x42: {  	_ =	shalt  }
0x43: {  	_ =	shalt  }
0x44: {  	_ =	shalt  }
0x45: {  	_ =	shalt  }
0x46: {  	_ =	shalt  }
0x47: {  	_ =	shalt  }
0x48: {  	_ =	shalt  }
0x49: {  	_ =	shalt  }
0x4a: {  	_ =	shalt  }
0x4b: {  	_ =	shalt  }
0x4c: {  	_ =	shalt  }
0x4d: {  	_ =	shalt  }
0x4e: {  	_ =	shalt  }
0x4f: {  	_ =	shalt  }
0x50: {  	_ =	shalt  }
0x51: {  	_ =	shalt  }
0x52: {  	_ =	shalt  }
0x53: {  	_ =	shalt  }
0x54: {  	_ =	shalt  }
0x55: {  	_ =	shalt  }
0x56: {  	_ =	shalt  }
0x57: {  	_ =	shalt  }
0x58: {  	_ =	shalt  }
0x59: {  	_ =	shalt  }
0x5a: {  	_ =	shalt  }
0x5b: {  	_ =	shalt  }
0x5c: {  	_ =	shalt  }
0x5d: {  	_ =	shalt  }
0x5e: {  	_ =	shalt  }
0x5f: {  	_ =	shalt  }
0x60: {  	_ =	shalt  }
0x61: {  	_ =	shalt  }
0x62: {  	_ =	shalt  }
0x63: {  	_ =	shalt  }
0x64: {  	_ =	shalt  }
0x65: {  	_ =	shalt  }
0x66: {  	_ =	shalt  }
0x67: {  	_ =	shalt  }
0x68: {  	_ =	shalt  }
0x69: {  	_ =	shalt  }
0x6a: {  	_ =	shalt  }
0x6b: {  	_ =	shalt  }
0x6c: {  	_ =	shalt  }
0x6d: {  	_ =	shalt  }
0x6e: {  	_ =	shalt  }
0x6f: {  	_ =	shalt  }
0x70: {  	_ =	shalt  }
0x71: {  	_ =	shalt  }
0x72: {  	_ =	shalt  }
0x73: {  	_ =	shalt  }
0x74: {  	_ =	shalt  }
0x75: {  	_ =	shalt  }
0x76: {  	_ =	shalt  }
0x77: {  	_ =	shalt  }
0x78: {  	_ =	shalt  }
0x79: {  	_ =	shalt  }
0x7a: {  	_ =	shalt  }
0x7b: {  	_ =	shalt  }
0x7c: {  	_ =	shalt  }
0x7d: {  	_ =	shalt  }
0x7e: {  	_ =	shalt  }
0x7f: {  	_ =	shalt  }
0x80: {  	_ =	shalt  }
0x81: {  	_ =	shalt  }
0x82: {  	_ =	shalt  }
0x83: {  	_ =	shalt  }
0x84: {  	_ =	shalt  }
0x85: {  	_ =	shalt  }
0x86: {  	_ =	shalt  }
0x87: {  	_ =	shalt  }
.Lfunc_end0:
.L_simem_size_0:
called_computation_lowered:
.L_overlay_start_0:
0x88: {  	s2 =	sld [smem:$0x3FD9]  }
0x89: {  	s3 =	sld [smem:$0x3FFE];
	_ =	sdelay $0x1  }
0x8a: {  	s1 =	srdreg.scid  }
0x8b: {  	s0 =	sand.u32 $0x1, s1  }
0x8c: {  	s14 =	sshll.u32 s0, $0xA;
	s2 =	sadd.s32 s3, s2  }
0x8d: {  	s2 =	sadd.s32 s2, s14  }
0x8e: {  	[smem:$0x3FC6] =	sst s2  }
0x8f: {  	_ = 	snop  }
0x90: {  	s2 =	sld [smem:$0x3FD0];
	_ =	sdelay $0x2  }
0x91: {  	s15 =	simm.s32 $0xA;
	s4 =	simm.s32 $0x10  }
0x92: {  	[smem:s4], [sflag:s15] =	dma.local [hbm:s2], $0x1  }
0x93: {  	_ =	swait.eq [sflag:s15], $0x1  }
0x94: {  	[sflag:s15] =	ssyncset.done $0x0  }
0x95: {  	[sflag:s15] =	ssyncadd.s32 $0xFFFFFFFF  }
0x96: {  	s16 =	sld [smem:$0x10];
	(tm) =	ssettm $0x1  }
0x97: {  	s17 =	sld [smem:$0x3FFB];
	_ =	sdelay $0x3  }
0x98: {  	_ =	strace s17  }
0x99: {  	s3 =	sld [smem:$0x3FFC];
	_ =	sdelay $0x3  }
0x9a: {  	_ =	strace s3  }
0x9b: {  	s3 =	sld [smem:$0x3FFD];
	_ =	sdelay $0x3  }
0x9c: {  	_ =	strace s3  }
0x9d: {  	_ =	strace $0x8FFFFFFF  }
0x9e: {  	s18 =	sld [smem:$0x3FDB];
	_ =	sdelay $0x1  }
0x9f: {  	s19 =	simm.s32 $_scs_section_size  }
0xa0: {  	s5 =	simm.s32 $_size__tile_overlayer_lowered;
	s6 =	simm.s32 $_tile_overlayer_lowered  }
0xa1: {  	s22 =	simm.s32 $0x1BFF;
	s21 =	sshll.u32 s6, $0x1;
	s3 =	sadd.s32 s19, s18  }
0xa2: {  	s7 =	simm.s32 $0x0;
	s20 =	sshll.u32 s5, $0x1;
	s5 =	sadd.s32 s21, s3  }
0xa3: {  	[timem:s7], [sflag:s22] =	dma.local [hbm:s5], s20  }
0xa4: {  	_ =	swait.ge [sflag:s22], s20  }
0xa5: {  	s4 =	ssub.s32 $0x0, s20;
	[sflag:s22] =	ssyncset.done $0x0  }
0xa6: {  	[sflag:s22] =	ssyncadd.s32 s4;
	_ =	sdelay $0x1  }
0xa7: {  	s23 =	simm.s32 $0x1B8B  }
0xa8: {  	_ =	swait.ge [sflag:s23], $0x1  }
0xa9: {  	[sflag:s23] =	ssyncset.done $0x0  }
0xaa: {  	s25 =	simm.s32 $0x1B8E;
	s24 =	sld [smem:$0x3FFE];
	[sflag:s23] =	ssyncadd.s32 $0xFFFFFFFF  }
0xab: {  	s26 =	simm.s32 $execute0_lowered;
	[smem:$0x3FD2] =	sst s25  }
0xac: {  	s5 =	sshll.u32 s26, $0x1;
	_ =	strace $0x80000046;
	[dreg:$0x1] =	wrdreg $0xFFFFFFFF  }
0xad: {  	s28 =	simm.s32 $_size_execute0_lowered;
	s3 =	sadd.s32 s3, s5;
	[dreg:$0x0] =	wrdreg $0x0  }
0xae: {  	s5 =	sshll.u32 s28, $0x1;
	[dreg:$0x2] =	wrdreg s3  }
0xaf: {  	[dreg:$0x3] =	wrdreg s5  }
0xb0: {  	[dreg:$0x4] =	wrdreg $0xC0  }
0xb1: {  	_ =	task [dreg:s7], $0x5FFFF  }
0xb2: {  	[dreg:$0x1] =	wrdreg $0xFFFFFFFF  }
0xb3: {  	[dreg:$0x0] =	wrdreg $0x60  }
0xb4: {  	[dreg:$0x2] =	wrdreg s24  }
0xb5: {  	[dreg:$0x3] =	wrdreg s16  }
0xb6: {  	[dreg:$0x4] =	wrdreg $0x9  }
0xb7: {  	_ =	task.clear_ibuf [dreg:s7], $0x5FFFF;
	_ =	strace $0x90000046  }
0xb8: {  	s29 =	simm.s32 $0x9;
	_ =	strace $0x80000048  }
0xb9: {  	_ =	swait.ge [sflag:s29], $0x1  }
0xba: {  	[sflag:s29] =	ssyncadd.s32 $0xFFFFFFFF  }
0xbb: {  	_ =	strace $0x90000048  }
0xbc: {  	_ =	sfence  }
0xbd: {  	s30 =	sld [smem:$0x0];
	_ =	sdelay $0x2  }
0xbe: {  	s31 =	sshll.u32 s1, $0xD;
	s1 =	sshrl.u32 s1, $0x2  }
0xbf: {  	s3 =	sand.u32 $0x4000, s31;
	s1 =	sadd.s32 s1, s30  }
0xc0: {  	s0 =	sor.u32 s3, s0;
	s1 =	sshll.u32 s1, $0x11  }
0xc1: {  	s0 =	sor.u32 s1, s0  }
0xc2: {  	s0 =	sadd.s32 $0x8F2B, s0  }
0xc3: {  	[sflag:s0] =	ssyncadd.remote.s32 $0x1  }
0xc4: {  	_ =	sfence.sel $0xFFFF  }
0xc5: {  	[dreg:$0x0] =	wrdreg $0xFFFFFFFF;
	(pc) =	sbr.abs _section_cstart, $3  }
0xc6: {  	[dreg:$0x1] =	wrdreg $0xFFFFFFFF  }
0xc7: {  	_ =	task.clear_ibuf [dreg:s7], $0x2FFFF;
	_ =	strace $0x9FFFFFFF  }
0xc8: {  	(tm) =	ssettm $0x7FFFFFFF  }
0xc9: {  	_ =	shalt  }
tec
execute0_lowered:
.L_overlay_start_1:
0x0: {  	(tag) =	ssettag $0x1  }
0x1: {  	s1 =	srdreg.scid;
	s3 =	rddreg [dreg:$0x0]  }
0x2: {  	s0 =	stileid.u32;
	s5 =	rddreg [dreg:$0x1]  }
0x3: {  	s2 =	simm.s32 $0x0;
	s8 =	simm.s32 $0x2000;
	s4 =	sand.u32 $0x1, s1  }
0x4: {  	s9 =	simm.s32 $0x40000;
	s6 =	sshll.u32 s0, $0xB;
	s7 =	sshll.u32 s4, $0xA  }
0x5: {  	s10 =	simm.s32 $0x0;
	s1 =	rddreg [dreg:$0x2];
	s6 =	sor.u32 s7, s6  }
0x6: {  	v0 =	vlaneseq.u32;
	v1 =	vimm.s32 $0x0;
	[smem:$0x7FF] =	sst s2;
	s4 =	ssub.s32 $0x2, s4;
	s7 =	sshrl.u32 s6, $0x3  }
0x7: {  	v2 =	vimm.f32 $0.0e+00;
	v10 =	vimm.f32 $1.000000000e+00;
	v3 =	vor.u32 $0x10, v0;
	_ =	strace $0x80000047;
	s31 =	sshrl.u32 s4, $0x1;
	s3 =	sadd.s32 s7, s3  }
0x8: {  	v4 =	vor.u32 $0x20, v0;
	v5 =	vor.u32 $0x30, v0;
	v6 =	vor.u32 $0x40, v0;
	s7 =	ssub.s32 s4, s31;
	s4 =	sadd.s32 s5, s6;
	s6 =	simm.s32 $0x1  }
0x9: {  	v7 =	vor.u32 $0x50, v0;
	v8 =	vor.u32 $0x60, v0;
	v9 =	vor.u32 $0x70, v0;
	s3 =	sadd.s32 $0xA00, s3;
	s5 =	smax.u32 s7, $0x1;
	s7 =	simm.s32 $0x400  }
.LBB2_1:
0xa: {  	v11 =	vor.u32 s2, v0  }
0xb: {  	v12 =	vmov s2;
	v11 =	vand.u32 $0x38F, v11  }
0xc: {  	vm0 =	veq.s32 v12, v0;
	vm1 =	vne.s32 v11, $0x0  }
0xd: {  	vm0 =	vmand vm0, vm1  }
0xe: {  	v11 =	vshrl.u32 v12, $0xA;
	v13 =	vsel vm0, $0xFFFFFFFF, v1  }
0xf: {  	v14 =	vshll.u32 v12, $0x3;
	v15 =	vshrl.u32 v12, $0x3;
	v11 =	vadd.s32 v13, v11  }
0x10: {  	v13 =	vand.u32 $0x1C00, v14;
	v14 =	vand.u32 $0x380, v15;
	v15 =	vshll.u32 v11, $0xA  }
0x11: {  	v12 =	vand.u32 $0xE000, v12;
	v11 =	vshll.u32 v11, $0x7;
	v15 =	vand.u32 $0xFFFFE000, v15  }
0x12: {  	v12 =	vor.u32 v13, v12;
	v11 =	vand.u32 $0x380, v11;
	v15 =	vor.u32 v15, v13  }
0x13: {  	s11 =	simm.s32 $0x80;
	v13 =	vor.u32 v11, v15;
	v11 =	vor.u32 v14, v12  }
0x14: {  	v16 =	vmov s11;
	v14 =	vor.u32 s11, v0;
	v15 =	vor.u32 v9, v11  }
0x15: {  	[tilespmem:s2], [sflag:$0x1] =	stream.linear.gather [hbm4b:s3+s2], $0x400, $0x38;
	v12 =	vor.u32 v0, v13;
	v14 =	vand.u32 $0x38F, v14;
	v13 =	vor.u32 v8, v11;
	[tilespmem:$0x10400] =	vst v63  }
0x16: {  	_ =	swait.ge [sflag:s6], $0x400;
	vm14 =	veq.s32 v16, v0;
	v17 =	vshrl.u32 v16, $0x3;
	vm15 =	vne.s32 v14, $0x0  }
0x17: {  	[sflag:s6] =	ssyncset.done $0x0;
	v18 =	vshrl.u32 v16, $0xA;
	v14 =	vshll.u32 v16, $0x3;
	vm0 =	vmand vm14, vm15  }
0x18: {  	s12 =	simm.s32 $0x8;
	[sflag:s6] =	ssyncadd.s32 $0xFFFFFC00;
	v17 =	vand.u32 $0x380, v17;
	v14 =	vand.u32 $0x1C00, v14;
	v19 =	vsel vm0, $0xFFFFFFFF, v1  }
.LBB2_2:
0x19: {  	s12 =	sadd.s32 $0x8, s12;
	v18 =	vadd.s32 v19, v18;
	v16 =	vand.u32 $0xE000, v16;
	v19 =	vor.u32 v4, v11;
	[tilespmem:v15+s7+$0x0] =	vst.idx.msk $0xffff, v2  }
0x1a: {  	v20 =	vor.u32 v7, v11;
	p0 =	slt.u32 s12, $0xFF8;
	v15 =	vshll.u32 v18, $0xA;
	v18 =	vshll.u32 v18, $0x7;
	[tilespmem:v13+s7+$0x0] =	vst.idx.msk $0xffff, v2  }
0x1b: {  	v13 =	vand.u32 $0xFFFFE000, v15;
	v15 =	vand.u32 $0x380, v18;
	[tilespmem:v12+s7+$0x0] =	vst.idx.msk $0xffff, v2;
	v18 =	vor.u32 v6, v11  }
0x1c: {  	v21 =	vor.u32 v5, v11;
	v12 =	vor.u32 v13, v14;
	v13 =	vor.u32 v14, v16  }
0x1d: {  	s11 =	sadd.s32 $0x80, s11;
	v22 =	vor.u32 v3, v11;
	v12 =	vor.u32 v15, v12;
	v11 =	vor.u32 v17, v13  }
.Ltmp0:
0x1e: {  	v13 =	vor.u32 s11, v0;
	v12 =	vor.u32 v0, v12;
	v15 =	vor.u32 v9, v11;
	[tilespmem:v19+s7+$0x0] =	vst.idx.msk $0xffff, v2;
	(pc) =	sbr.rel @p0 .LBB2_2-.Ltmp0, $4  }
0x1f: {  	v16 =	vmov s11;
	v14 =	vand.u32 $0x38F, v13;
	v13 =	vor.u32 v8, v11;
	[tilespmem:v20+s7+$0x0] =	vst.idx.msk $0xffff, v2  }
0x20: {  	vm0 =	veq.s32 v16, v0;
	vm1 =	vne.s32 v14, $0x0;
	v14 =	vshll.u32 v16, $0x3;
	[tilespmem:v18+s7+$0x0] =	vst.idx.msk $0xffff, v2  }
0x21: {  	v17 =	vshrl.u32 v16, $0x3;
	vm0 =	vmand vm0, vm1;
	v14 =	vand.u32 $0x1C00, v14;
	[tilespmem:v21+s7+$0x0] =	vst.idx.msk $0xffff, v2  }
0x22: {  	v17 =	vand.u32 $0x380, v17;
	v18 =	vshrl.u32 v16, $0xA;
	v19 =	vsel vm0, $0xFFFFFFFF, v1;
	[tilespmem:v22+s7+$0x0] =	vst.idx.msk $0xffff, v2  }
0x23: {  	_ =	sdelay $0x1  }
0x24: {  	v20 =	vor.u32 v4, v11  }
0x25: {  	v18 =	vadd.s32 v19, v18;
	v19 =	vor.u32 v7, v11  }
0x26: {  	v16 =	vand.u32 $0xE000, v16;
	[tilespmem:v15+s7+$0x0] =	vst.idx.msk $0xffff, v2;
	v21 =	vor.u32 v6, v11;
	v15 =	vshll.u32 v18, $0xA  }
0x27: {  	[tilespmem:v13+s7+$0x0] =	vst.idx.msk $0xffff, v2;
	v18 =	vshll.u32 v18, $0x7;
	v13 =	vor.u32 v14, v16;
	v16 =	vor.u32 v5, v11  }
0x28: {  	[tilespmem:v12+s7+$0x0] =	vst.idx.msk $0xffff, v2;
	v11 =	vor.u32 v3, v11;
	v15 =	vand.u32 $0xFFFFE000, v15;
	v12 =	vor.u32 v17, v13  }
0x29: {  	v13 =	vand.u32 $0x380, v18;
	v14 =	vor.u32 v15, v14;
	v15 =	vor.u32 v9, v12;
	[tilespmem:v20+s7+$0x0] =	vst.idx.msk $0xffff, v2  }
0x2a: {  	v13 =	vor.u32 v13, v14;
	v14 =	vor.u32 v8, v12;
	[tilespmem:v19+s7+$0x0] =	vst.idx.msk $0xffff, v2  }
0x2b: {  	v13 =	vor.u32 v0, v13;
	[tilespmem:v21+s7+$0x0] =	vst.idx.msk $0xffff, v2  }
0x2c: {  	[tilespmem:v16+s7+$0x0] =	vst.idx.msk $0xffff, v2;
	v16 =	vor.u32 v4, v12  }
0x2d: {  	[tilespmem:v11+s7+$0x0] =	vst.idx.msk $0xffff, v2;
	v11 =	vor.u32 v7, v12  }
0x2e: {  	[tilespmem:v15+s7+$0x0] =	vst.idx.msk $0xffff, v2;
	v15 =	vor.u32 v6, v12  }
0x2f: {  	[tilespmem:v14+s7+$0x0] =	vst.idx.msk $0xffff, v2;
	v14 =	vor.u32 v5, v12  }
0x30: {  	v12 =	vor.u32 v3, v12;
	[tilespmem:v13+s7+$0x0] =	vst.idx.msk $0xffff, v2  }
0x31: {  	[tilespmem:v16+s7+$0x0] =	vst.idx.msk $0xffff, v2  }
0x32: {  	[tilespmem:v11+s7+$0x0] =	vst.idx.msk $0xffff, v2  }
0x33: {  	[tilespmem:v15+s7+$0x0] =	vst.idx.msk $0xffff, v2  }
0x34: {  	s15 =	simm.s32 $0x30;
	[tilespmem:v14+s7+$0x0] =	vst.idx.msk $0xffff, v2  }
0x35: {  	s12 =	simm.s32 $0x20;
	v17 =	vmov s15;
	[tilespmem:v12+s7+$0x0] =	vst.idx.msk $0xffff, v2  }
0x36: {  	s14 =	simm.s32 $0x20;
	v17 =	vshll.u32 v17, $0x3;
	v19 =	vor.u32 s15, v0;
	v11 =	vld [tilespmem:s12+$0x10]  }
0x37: {  	v22 =	vor.u32 s14, v0;
	v17 =	vand.u32 $0x1C00, v17;
	v19 =	vand.u32 $0x7F, v19  }
0x38: {  	s11 =	simm.s32 $0x0;
	s13 =	simm.s32 $0x10;
	v22 =	vand.u32 $0x6F, v22;
	v17 =	vor.u32 v17, v19  }
0x39: {  	v19 =	vor.u32 s13, v0;
	v13 =	vor.u32 s11, v0;
	v16 =	vmov s14;
	v18 =	vld [tilespmem:s12+$0xFFFFFFF0]  }
0x3a: {  	v19 =	vand.u32 $0x5F, v19;
	v26 =	vand.u32 $0x4F, v13;
	v16 =	vshll.u32 v16, $0x3;
	v20 =	vld [tilespmem:s12+$0x0]  }
0x3b: {  	v15 =	vmov s13;
	v16 =	vand.u32 $0x1C00, v16;
	v14 =	vld [tilespmem:s12+$0xFFFFFFE0];
	v62 =	vshll.u32 v11, $0xA  }
0x3c: {  	v12 =	vmov s11;
	v11 =	vshll.u32 v11, $0x7;
	v21 =	vand.u32 $0xFFFFE000, v62  }
0x3d: {  	v15 =	vshll.u32 v15, $0x3;
	v11 =	vand.u32 $0x380, v11;
	v17 =	vor.u32 v21, v17  }
0x3e: {  	v12 =	vshll.u32 v12, $0x3;
	v23 =	vand.u32 $0x1C00, v15;
	v17 =	vor.u32 v11, v17  }
0x3f: {  	v25 =	vand.u32 $0x1C00, v12;
	v63 =	vshll.u32 v18, $0xA;
	v24 =	vshll.u32 v20, $0xA  }
0x40: {  	v15 =	vshll.u32 v14, $0x7;
	v12 =	vshll.u32 v18, $0x7;
	v18 =	vor.u32 v23, v19  }
0x41: {  	v13 =	vshll.u32 v20, $0x7;
	v19 =	vor.u32 v16, v22;
	v21 =	vand.u32 $0xFFFFE000, v63  }
0x42: {  	v11 =	vshll.u32 v14, $0xA;
	v14 =	vand.u32 $0xFFFFE000, v24;
	v16 =	vor.u32 v21, v18  }
0x43: {  	s13 =	simm.s32 $0x60;
	s12 =	simm.s32 $0x0;
	v11 =	vand.u32 $0xFFFFE000, v11;
	v14 =	vor.u32 v14, v19;
	[tilespmem:v17+s7+$0x0] =	vst.idx.msk $0xffff, v10;
	v17 =	vor.u32 v25, v26  }
.LBB2_4:
0x44: {  	v18 =	vld [tilespmem:s13+$0x10];
	s12 =	sadd.s32 $0x4, s12;
	v15 =	vand.u32 $0x380, v15;
	v11 =	vor.u32 v11, v17;
	v12 =	vand.u32 $0x380, v12  }
0x45: {  	v13 =	vand.u32 $0x380, v13;
	s11 =	sadd.s32 $0x40, s11;
	v17 =	vld [tilespmem:s13+$0xFFFFFFE0];
	p0 =	slt.u32 s12, $0x3C;
	v11 =	vor.u32 v15, v11;
	v12 =	vor.u32 v12, v16  }
0x46: {  	v15 =	vmov s11;
	v16 =	vor.u32 s11, v0;
	s14 =	sadd.s32 $0x10, s11;
	s15 =	sadd.s32 $0x20, s11;
	s16 =	sadd.s32 $0x30, s11;
	v13 =	vor.u32 v13, v14;
	v19 =	vld [tilespmem:s13+$0xFFFFFFF0]  }
0x47: {  	v14 =	vmov s14;
	v20 =	vmov s15;
	v22 =	vmov s16;
	v21 =	vld [tilespmem:s13+$0x0]  }
0x48: {  	v23 =	vor.u32 s16, v0;
	v14 =	vshll.u32 v14, $0x3;
	v22 =	vshll.u32 v22, $0x3  }
0x49: {  	v23 =	vand.u32 $0x7F, v23;
	v22 =	vand.u32 $0x1C00, v22;
	v24 =	vshll.u32 v18, $0xA  }
0x4a: {  	v18 =	vshll.u32 v18, $0x7;
	v22 =	vor.u32 v22, v23;
	v24 =	vand.u32 $0xFFFFE000, v24;
	[tilespmem:v11+s7+$0x0] =	vst.idx.msk $0xffff, v10  }
0x4b: {  	v11 =	vshll.u32 v20, $0x3;
	v18 =	vand.u32 $0x380, v18;
	v20 =	vor.u32 v24, v22;
	[tilespmem:v12+s7+$0x0] =	vst.idx.msk $0xffff, v10  }
0x4c: {  	v12 =	vshll.u32 v15, $0x3;
	v15 =	vor.u32 s14, v0;
	v18 =	vor.u32 v18, v20;
	[tilespmem:v13+s7+$0x0] =	vst.idx.msk $0xffff, v10  }
0x4d: {  	v22 =	vor.u32 s15, v0;
	v13 =	vshll.u32 v17, $0xA;
	v20 =	vshll.u32 v19, $0xA  }
0x4e: {  	v14 =	vand.u32 $0x1C00, v14;
	v24 =	vand.u32 $0x1C00, v11;
	v23 =	vshll.u32 v21, $0xA  }
.Ltmp1:
0x4f: {  	v25 =	vand.u32 $0x1C00, v12;
	v26 =	vand.u32 $0x5F, v15;
	v22 =	vand.u32 $0x6F, v22;
	(pc) =	sbr.rel @p0 .LBB2_4-.Ltmp1, $4  }
0x50: {  	v16 =	vand.u32 $0x4F, v16;
	v11 =	vand.u32 $0xFFFFE000, v13;
	v20 =	vand.u32 $0xFFFFE000, v20  }
0x51: {  	v15 =	vshll.u32 v17, $0x7;
	v12 =	vshll.u32 v19, $0x7;
	v19 =	vand.u32 $0xFFFFE000, v23;
	[tilespmem:v18+s7+$0x0] =	vst.idx.msk $0xffff, v10  }
0x52: {  	v14 =	vor.u32 v14, v26;
	v13 =	vshll.u32 v21, $0x7;
	v18 =	vor.u32 v24, v22  }
0x53: {  	s13 =	sadd.s32 $0x40, s13;
	v17 =	vor.u32 v25, v16;
	v16 =	vor.u32 v20, v14;
	v14 =	vor.u32 v19, v18  }
0x54: {  	v15 =	vand.u32 $0x380, v15;
	v11 =	vor.u32 v11, v17  }
0x55: {  	v12 =	vand.u32 $0x380, v12;
	v11 =	vor.u32 v15, v11  }
0x56: {  	v13 =	vand.u32 $0x380, v13;
	v12 =	vor.u32 v12, v16  }
0x57: {  	v13 =	vor.u32 v13, v14;
	_ =	sdelay $0x2  }
0x58: {  	s10 =	sadd.s32 $0x1, s10;
	[tilespmem:v11+s7+$0x0] =	vst.idx.msk $0xffff, v10  }
0x59: {  	p0 =	sne.s32 s10, s5;
	[tilespmem:v12+s7+$0x0] =	vst.idx.msk $0xffff, v10  }
.Ltmp2:
0x5a: {  	[tilespmem:v13+s7+$0x0] =	vst.idx.msk $0xffff, v10;
	(pc) =	sbr.rel @p0 .LBB2_1-.Ltmp2, $4  }
0x5b: {  	[hbm4b:s4+s8] =	stream.strided.scatter [tilespmem:s7], [sflag:$0x1], $0x10000, s9, s8, $0x38;
	[tilespmem:$0x10400] =	vst v63  }
0x5c: {  	_ =	swait.ge [sflag:s6], $0x10000  }
0x5d: {  	[sflag:s6] =	ssyncset.done $0x0  }
0x5e: {  	[sflag:s6] =	ssyncadd.s32 $0xFFFF0000  }
0x5f: {  	_ =	sfence.sel $0x180000  }
0x60: {  	[bflag:$0x0] =	sbarrier.arrive $0xFFFF  }
0x61: {  	p0 =	sne.s32 s0, $0x0;
	_ =	strace $0x90000047  }
0x62: {  	s0 =	sadd.s32 @!p0 $0x100000, s1;
	[bflag:$0x2] =	sbarrier.arrive $0xFFFF  }
0x63: {  	[sflag:s0] =	ssyncadd.tile.s32 @!p0 $0x1;
	_ =	shalt  }
.Lfunc_end2:
_tile_overlayer_lowered:
.L_overlay_start_2:
0x64: {  	(tag) =	ssettag $0x2  }
0x65: {  	s0 =	rddreg [dreg:$0x0];
	s2 =	stileid.u32  }
0x66: {  	s1 =	rddreg [dreg:$0x1];
	p0 =	sne.s32 s2, $0x0  }
0x67: {  	s3 =	rddreg [dreg:$0x2];
	[bflag:$0x3] =	sbarrier.arrive $0xFFFF;
	s2 =	simm.s32 @!p0 $0x1C01  }
0x68: {  	[timem:s3], [sflag:s2] =	dma.local @!p0 [hbm:s0], s1  }
0x69: {  	s0 =	simm.s32 @!p0 $0x1  }
0x6a: {  	_ =	swait.ge @!p0 [sflag:s0], s1  }
0x6b: {  	s1 =	ssub.s32 @!p0 $0x0, s1;
	[sflag:s0] =	ssyncset.done @!p0 $0x0  }
0x6c: {  	[sflag:s0] =	ssyncadd.s32 @!p0 s1  }
0x6d: {  	[bflag:$0x3] =	sbarrier.arrive $0xFFFF  }
0x6e: {  	_ =	shalt  }

</sc_bundles>
